<compile_context>
chip_gen: v7x
topology: tpu7x:2x2x1
jax: 0.10.2.dev20260603
libtpu: 0.0.44.dev20260713+nightly
codegen_flags: <defaults>
</compile_context>

<pallas_src>
import jax
import jax.numpy as jnp
from jax.experimental import pallas as pl

_K = 256
_LANES = 128
_TREND_THRESHOLD = 0.55


def _select_body(x1_ref, x2_ref, trend_ref, idx_ref, zval_ref):
    x1 = x1_ref[...]
    x2 = x2_ref[...]
    rc, l = x1.shape
    r = _K // 16
    c = rc // r
    iota_j = jax.lax.broadcasted_iota(jnp.int32, (r, rc), 1)
    iota_r = jax.lax.broadcasted_iota(jnp.int32, (r, 1), 0)
    iota_c = jax.lax.broadcasted_iota(jnp.int32, (r, c), 1)
    iota_l = jax.lax.broadcasted_iota(jnp.int32, (r, l), 1)
    iota_k = jax.lax.broadcasted_iota(jnp.int32, (r, _K), 1)
    inf = jnp.float32(jnp.inf)

    sel = (iota_j // c == iota_r).astype(jnp.float32)
    s1 = jnp.dot(sel, x1, preferred_element_type=jnp.float32)
    mean = jnp.sum(s1, axis=1, keepdims=True) / jnp.float32(rc // r * l)
    trend = mean > _TREND_THRESHOLD
    selt = (jax.lax.broadcasted_iota(jnp.int32, (rc, r), 0) // c ==
            jax.lax.broadcasted_iota(jnp.int32, (rc, r), 1)).astype(
                jnp.float32)
    tbig = jnp.dot(selt, jnp.broadcast_to(
        trend.astype(jnp.float32), (r, l)),
        preferred_element_type=jnp.float32)
    z = jnp.where(tbig > 0.5, -x2, x1)

    h1 = z.astype(jnp.bfloat16)
    r1 = z - h1.astype(jnp.float32)
    h2 = r1.astype(jnp.bfloat16)
    h3 = (r1 - h2.astype(jnp.float32)).astype(jnp.bfloat16)
    selb = sel.astype(jnp.bfloat16)

    def exact_sel(oh_b, p1, p2, p3):
        d1 = jnp.dot(oh_b, p1, preferred_element_type=jnp.float32)
        d2 = jnp.dot(oh_b, p2, preferred_element_type=jnp.float32)
        d3 = jnp.dot(oh_b, p3, preferred_element_type=jnp.float32)
        return (d1 + d2) + d3

    minl = jnp.min(z, axis=1, keepdims=True)
    ohcol = ((jax.lax.broadcasted_iota(jnp.int32, (rc, c), 0) % c) ==
             jax.lax.broadcasted_iota(jnp.int32, (rc, c), 1)).astype(
                 jnp.float32)
    m1 = minl.astype(jnp.bfloat16)
    mr1 = minl - m1.astype(jnp.float32)
    m2 = mr1.astype(jnp.bfloat16)
    m3 = (mr1 - m2.astype(jnp.float32)).astype(jnp.bfloat16)
    cm = exact_sel(
        selb,
        (jnp.broadcast_to(m1.astype(jnp.float32), (rc, c)) * ohcol
         ).astype(jnp.bfloat16),
        (jnp.broadcast_to(m2.astype(jnp.float32), (rc, c)) * ohcol
         ).astype(jnp.bfloat16),
        (jnp.broadcast_to(m3.astype(jnp.float32), (rc, c)) * ohcol
         ).astype(jnp.bfloat16))

    wv = jnp.full((r, c), -inf)
    wl = jnp.full((r, c), -1, jnp.int32)

    def body(t, carry):
        cm, wv, wl, vals, idxs = carry
        gm = jnp.min(cm, axis=1, keepdims=True)
        cidx = jnp.min(jnp.where(cm == gm, iota_c, c), axis=1,
                       keepdims=True)
        ohc = iota_c == cidx
        oh = (iota_j == iota_r * c + cidx).astype(jnp.bfloat16)
        zc = exact_sel(oh, h1, h2, h3)
        wvc = jnp.max(jnp.where(ohc, wv, -inf), axis=1, keepdims=True)
        wlc = jnp.max(jnp.where(ohc, wl, -1), axis=1, keepdims=True)
        done = (zc < wvc) | ((zc == wvc) & (iota_l <= wlc))
        zm = jnp.where(done, inf, zc)
        lane = jnp.min(jnp.where(zm == gm, iota_l, l), axis=1,
                       keepdims=True)
        newcm = jnp.min(
            jnp.where(done | (zm < gm) | ((zm == gm) & (iota_l <= lane)),
                      inf, zc), axis=1, keepdims=True)
        cm = jnp.where(ohc, newcm, cm)
        wv = jnp.where(ohc, gm, wv)
        wl = jnp.where(ohc, lane, wl)
        sel_t = iota_k == t
        vals = jnp.where(sel_t, gm, vals)
        idxs = jnp.where(sel_t, cidx * l + lane, idxs)
        return cm, wv, wl, vals, idxs

    vals0 = jnp.zeros((r, _K), jnp.float32)
    idxs0 = jnp.zeros((r, _K), jnp.int32)
    _, _, _, vals, idxs = jax.lax.fori_loop(
        0, _K, body, (cm, wv, wl, vals0, idxs0))
    trend_ref[...] = trend.astype(jnp.int32)
    idx_ref[...] = idxs
    zval_ref[...] = vals


def _gather_mlp_body(pt_ref, idx_ref, xval_ref, w1pt_ref, w1x_ref, b1_ref,
                     w2_ref, b2_ref, out_ref):
    ptc = pt_ref[0]
    c, d = ptc.shape
    idxv = idx_ref[0]
    hi = idxv // _LANES
    lo = idxv - hi * _LANES
    iota_c = jax.lax.broadcasted_iota(jnp.int32, (_K, c), 1)
    oh_hi = (iota_c == hi).astype(jnp.float32)
    g = jnp.dot(oh_hi, ptc, preferred_element_type=jnp.float32)
    iota_d = jax.lax.broadcasted_iota(jnp.int32, (_K, d), 1)
    oh_lo = ((iota_d % _LANES) == lo).astype(jnp.float32)
    prod = g * oh_lo
    iota_dr = jax.lax.broadcasted_iota(jnp.int32, (d, 8), 0)
    iota_fc = jax.lax.broadcasted_iota(jnp.int32, (d, 8), 1)
    s = ((iota_dr // _LANES) == iota_fc).astype(jnp.float32)
    feats = jnp.dot(prod, s, preferred_element_type=jnp.float32)
    xv = xval_ref[0]
    w1pt = w1pt_ref[0]
    w1x = w1x_ref[0]
    b1 = b1_ref[0]
    w2 = w2_ref[0]
    b2 = b2_ref[0][:, 0:1]
    h = jnp.dot(feats, w1pt, preferred_element_type=jnp.float32)
    h = h + xv * w1x + b1
    h = jnp.maximum(h, 0.0)
    o = jnp.sum(h * w2, axis=1, keepdims=True) + b2
    out_ref[0] = o


def kernel(x1, x2, past_targets, Wl1, bl1, Wl2, bl2, Ws1, bs1, Ws2, bs2):
    b, n = x1.shape
    nf = past_targets.shape[-1]
    h = Wl1.shape[1]
    c = n // _LANES
    rb = min(16, b)

    x1c = x1.reshape(b * c, _LANES)
    x2c = x2.reshape(b * c, _LANES)

    trend_i, idx, zval = pl.pallas_call(
        _select_body,
        grid=(b // rb,),
        in_specs=[
            pl.BlockSpec((rb * c, _LANES), lambda i: (i, 0)),
            pl.BlockSpec((rb * c, _LANES), lambda i: (i, 0)),
        ],
        out_specs=[
            pl.BlockSpec((rb, 1), lambda i: (i, 0)),
            pl.BlockSpec((rb, _K), lambda i: (i, 0)),
            pl.BlockSpec((rb, _K), lambda i: (i, 0)),
        ],
        out_shape=[
            jax.ShapeDtypeStruct((b, 1), jnp.int32),
            jax.ShapeDtypeStruct((b, _K), jnp.int32),
            jax.ShapeDtypeStruct((b, _K), jnp.float32),
        ],
    )(x1c, x2c)

    trend = trend_i[:, 0] > 0
    xval = jnp.where(trend[:, None], -zval, zval).reshape(b, _K, 1)
    idx3 = idx.reshape(b, _K, 1)

    pt2 = (past_targets
           .reshape(b, c, _LANES, nf)
           .transpose(0, 1, 3, 2)
           .reshape(b, c, nf * _LANES))

    tsel = trend[:, None, None]
    w1 = jnp.where(tsel, Wl1[None], Ws1[None])
    w1x = w1[:, 0:1, :]
    w1pt = jnp.pad(w1[:, 1:, :], ((0, 0), (0, 8 - (w1.shape[1] - 1)), (0, 0)))
    b1 = jnp.where(tsel, bl1[None, None, :], bs1[None, None, :])
    w2 = jnp.where(tsel, Wl2.T[None], Ws2.T[None])
    b2 = jnp.where(tsel, bl2[None, None, :], bs2[None, None, :])
    b2 = jnp.broadcast_to(b2, (b, 1, h)) * jnp.ones((1, 1, h), jnp.float32)

    out3 = pl.pallas_call(
        _gather_mlp_body,
        grid=(b,),
        in_specs=[
            pl.BlockSpec((1, c, nf * _LANES), lambda r: (r, 0, 0)),
            pl.BlockSpec((1, _K, 1), lambda r: (r, 0, 0)),
            pl.BlockSpec((1, _K, 1), lambda r: (r, 0, 0)),
            pl.BlockSpec((1, 8, h), lambda r: (r, 0, 0)),
            pl.BlockSpec((1, 1, h), lambda r: (r, 0, 0)),
            pl.BlockSpec((1, 1, h), lambda r: (r, 0, 0)),
            pl.BlockSpec((1, 1, h), lambda r: (r, 0, 0)),
            pl.BlockSpec((1, 1, h), lambda r: (r, 0, 0)),
        ],
        out_specs=pl.BlockSpec((1, _K, 1), lambda r: (r, 0, 0)),
        out_shape=jax.ShapeDtypeStruct((b, _K, 1), jnp.float32),
    )(pt2, idx3, xval, w1pt, w1x, b1, w2, b2)

    return out3.reshape(b, _K), trend, idx

# --- scband reference (transcript-rebuilt; emitter-appended) ---
"""Pipeline reference for scband-fur-strategy-5093831213193 (READ-ONLY COPY).

The authoritative reference and input builder live on the scoring server;
editing this copy changes nothing except your own understanding.
"""

import jax, jax.numpy as jnp
import numpy as np

FEATURES_DIM = 32768
BATCH = 128
SELECT_NUM = 256
PAST_TAR_DIM = 3
HIDDEN = 64
TREND_THRESHOLD = 0.55


def setup_inputs(seed: int = 0) -> dict:
    key = jax.random.key(seed)
    ks = [jax.random.fold_in(key, i) for i in range(16)]
    in_dim = PAST_TAR_DIM * 2 + 1
    x1 = jax.random.uniform(ks[0], (BATCH, FEATURES_DIM), dtype=jnp.float32)
    x2 = jax.random.uniform(ks[1], (BATCH, FEATURES_DIM), dtype=jnp.float32)
    past_targets = jax.random.normal(ks[2], (BATCH, FEATURES_DIM, PAST_TAR_DIM * 2), dtype=jnp.float32)
    Wl1 = jax.random.normal(ks[3], (in_dim, HIDDEN), dtype=jnp.float32) * 0.1
    bl1 = jax.random.normal(ks[4], (HIDDEN,), dtype=jnp.float32) * 0.01
    Wl2 = jax.random.normal(ks[5], (HIDDEN, 1), dtype=jnp.float32) * 0.1
    bl2 = jax.random.normal(ks[6], (1,), dtype=jnp.float32) * 0.01
    Ws1 = jax.random.normal(ks[7], (in_dim, HIDDEN), dtype=jnp.float32) * 0.1
    bs1 = jax.random.normal(ks[8], (HIDDEN,), dtype=jnp.float32) * 0.01
    Ws2 = jax.random.normal(ks[9], (HIDDEN, 1), dtype=jnp.float32) * 0.1
    bs2 = jax.random.normal(ks[10], (1,), dtype=jnp.float32) * 0.01
    return {"x1": x1, "x2": x2, "past_targets": past_targets,
            "Wl1": Wl1, "bl1": bl1, "Wl2": Wl2, "bl2": bl2,
            "Ws1": Ws1, "bs1": bs1, "Ws2": Ws2, "bs2": bs2}


def reference(x1, x2, past_targets, Wl1, bl1, Wl2, bl2, Ws1, bs1, Ws2, bs2):
    k = SELECT_NUM
    output_mean_value = jnp.mean(x1, axis=1)
    # ascending argsort, take smallest k (short candidates)
    selected_index_s = jnp.argsort(x1, axis=1)[:, :k]
    # descending argsort, take largest k (long candidates)
    selected_index_l = jnp.argsort(-x2, axis=1)[:, :k]
    trend_value = output_mean_value > TREND_THRESHOLD
    combine_index = jnp.where(trend_value[:, None], selected_index_l, selected_index_s)

    x1_input = jnp.take_along_axis(x1, selected_index_s, axis=1)
    x2_input = jnp.take_along_axis(x2, selected_index_l, axis=1)
    past_targets_s = jnp.take_along_axis(past_targets, selected_index_s[:, :, None], axis=1)
    past_targets_l = jnp.take_along_axis(past_targets, selected_index_l[:, :, None], axis=1)

    x1_in = jnp.concatenate([x1_input[..., None], past_targets_s], axis=-1)
    x2_in = jnp.concatenate([x2_input[..., None], past_targets_l], axis=-1)

    s_output = jnp.maximum(x1_in @ Ws1 + bs1, 0.0) @ Ws2 + bs2  # [B, k, 1]
    l_output = jnp.maximum(x2_in @ Wl1 + bl1, 0.0) @ Wl2 + bl2  # [B, k, 1]

    output = jnp.where(trend_value[:, None], l_output[..., 0], s_output[..., 0])
    return (output, trend_value, combine_index)

if __name__ == "__main__":
    import jax
    _d = setup_inputs()
    print(jax.jit(kernel)(*tuple(_d.values())))

</pallas_src>

<mosaic_0001>
module attributes {stable_mosaic.version = 14 : i64} {
  func.func @_select_body(%arg0: i32, %arg1: memref<4096x128xf32, #tpu.memory_space<vmem>>, %arg2: memref<4096x128xf32, #tpu.memory_space<vmem>>, %arg3: memref<16x1xi32, #tpu.memory_space<vmem>>, %arg4: memref<16x256xi32, #tpu.memory_space<vmem>>, %arg5: memref<16x256xf32, #tpu.memory_space<vmem>>) attributes {dimension_semantics = [#tpu.dimension_semantics<arbitrary>], iteration_bounds = array<i64: 8>, scalar_prefetch = 0 : i64, scratch_operands = 0 : i64, tpu.core_type = #tpu.core_type<tc>, window_params = [{transform_indices = @transform_0, window_bounds = array<i64: 4096, 128>}, {transform_indices = @transform_1, window_bounds = array<i64: 4096, 128>}, {transform_indices = @transform_2, window_bounds = array<i64: 16, 1>}, {transform_indices = @transform_3, window_bounds = array<i64: 16, 256>}, {transform_indices = @transform_4, window_bounds = array<i64: 16, 256>}]} {
    %get3A = arith.constant 0 : index
    %get3A_0 = arith.constant 0 : index
    %get3A_1 = vector.load %arg1[%get3A, %get3A_0] : memref<4096x128xf32, #tpu.memory_space<vmem>>, vector<4096x128xf32>
    %get3A_2 = arith.constant 0 : index
    %get3A_3 = arith.constant 0 : index
    %get3A_4 = vector.load %arg2[%get3A_2, %get3A_3] : memref<4096x128xf32, #tpu.memory_space<vmem>>, vector<4096x128xf32>
    %iota3A = tpu.iota {dimensions = array<i32: 1>} : vector<16x4096xi32>
    %iota3A_5 = tpu.iota {dimensions = array<i32: 0>} : vector<16x1xi32>
    %iota3A_6 = tpu.iota {dimensions = array<i32: 1>} : vector<16x256xi32>
    %iota3A_7 = tpu.iota {dimensions = array<i32: 1>} : vector<16x128xi32>
    %iota3A_8 = tpu.iota {dimensions = array<i32: 1>} : vector<16x256xi32>
    %jit3A = arith.constant 256 : i32
    %div3A = vector.broadcast %jit3A : i32 to vector<16x4096xi32>
    %div3A_9 = arith.divsi %iota3A, %div3A : vector<16x4096xi32>
    %sign3A = arith.constant 0 : i32
    %sign3A_10 = vector.broadcast %sign3A : i32 to vector<16x4096xi32>
    %sign3A_11 = arith.cmpi sgt, %iota3A, %sign3A_10 : vector<16x4096xi32>
    %sign3A_12 = arith.extui %sign3A_11 : vector<16x4096xi1> to vector<16x4096xi32>
    %sign3A_13 = arith.constant 0 : i32
    %sign3A_14 = vector.broadcast %sign3A_13 : i32 to vector<16x4096xi32>
    %sign3A_15 = arith.cmpi slt, %iota3A, %sign3A_14 : vector<16x4096xi32>
    %sign3A_16 = arith.extui %sign3A_15 : vector<16x4096xi1> to vector<16x4096xi32>
    %sign3A_17 = arith.subi %sign3A_12, %sign3A_16 : vector<16x4096xi32>
    %sign3A_18 = arith.constant 0 : i32
    %sign3A_19 = arith.cmpi sgt, %jit3A, %sign3A_18 : i32
    %sign3A_20 = arith.extui %sign3A_19 : i1 to i32
    %sign3A_21 = arith.constant 0 : i32
    %sign3A_22 = arith.cmpi slt, %jit3A, %sign3A_21 : i32
    %sign3A_23 = arith.extui %sign3A_22 : i1 to i32
    %sign3A_24 = arith.subi %sign3A_20, %sign3A_23 : i32
    %ne3A = vector.broadcast %sign3A_24 : i32 to vector<16x4096xi32>
    %ne3A_25 = arith.cmpi ne, %sign3A_17, %ne3A : vector<16x4096xi32>
    %rem3A = vector.broadcast %jit3A : i32 to vector<16x4096xi32>
    %rem3A_26 = arith.remsi %iota3A, %rem3A : vector<16x4096xi32>
    %ne3A_27 = arith.constant 0 : i32
    %ne3A_28 = vector.broadcast %ne3A_27 : i32 to vector<16x4096xi32>
    %ne3A_29 = arith.cmpi ne, %rem3A_26, %ne3A_28 : vector<16x4096xi32>
    %and3A = arith.andi %ne3A_25, %ne3A_29 : vector<16x4096xi1>
    %sub3A = arith.constant 1 : i32
    %sub3A_30 = vector.broadcast %sub3A : i32 to vector<16x4096xi32>
    %sub3A_31 = arith.subi %div3A_9, %sub3A_30 : vector<16x4096xi32>
    %select_n3A = arith.select %and3A, %sub3A_31, %div3A_9 : vector<16x4096xi1>, vector<16x4096xi32>
    %eq3A = vector.broadcast %iota3A_5 : vector<16x1xi32> to vector<16x4096xi32>
    %eq3A_32 = arith.cmpi eq, %select_n3A, %eq3A : vector<16x4096xi32>
    %convert_element_type3A = arith.extui %eq3A_32 : vector<16x4096xi1> to vector<16x4096xi32>
    %convert_element_type3A_33 = arith.sitofp %convert_element_type3A : vector<16x4096xi32> to vector<16x4096xf32>
    %dot_general3A = arith.constant dense<0.000000e+00> : vector<16x128xf32>
    %dot_general3A_34 = tpu.matmul %convert_element_type3A_33, %get3A_1, %dot_general3A {dimension_numbers = #tpu.dot_dimension_numbers<[1], [0], [0], [1], [0, 0, 1, 1], [], []>, transpose_lhs_hint = false} : vector<16x4096xf32>, vector<4096x128xf32>, vector<16x128xf32> -> vector<16x128xf32>
    %reduce_sum3A = arith.constant dense<0.000000e+00> : vector<16xf32>
    %reduce_sum3A_35 = vector.multi_reduction <add>, %dot_general3A_34, %reduce_sum3A [1] : vector<16x128xf32> to vector<16xf32>
    %broadcast_in_dim3A = vector.shape_cast %reduce_sum3A_35 : vector<16xf32> to vector<16x1xf32>
    %div3A_36 = arith.constant 3.276800e+04 : f32
    %div3A_37 = vector.broadcast %div3A_36 : f32 to vector<16x1xf32>
    %div3A_38 = arith.divf %broadcast_in_dim3A, %div3A_37 : vector<16x1xf32>
    %gt3A = arith.constant 5.500000e-01 : f32
    %gt3A_39 = vector.broadcast %gt3A : f32 to vector<16x1xf32>
    %gt3A_40 = arith.cmpf ogt, %div3A_38, %gt3A_39 : vector<16x1xf32>
    %iota3A_41 = tpu.iota {dimensions = array<i32: 0>} : vector<4096x16xi32>
    %jit3A_42 = arith.constant 256 : i32
    %div3A_43 = vector.broadcast %jit3A_42 : i32 to vector<4096x16xi32>
    %div3A_44 = arith.divsi %iota3A_41, %div3A_43 : vector<4096x16xi32>
    %sign3A_45 = arith.constant 0 : i32
    %sign3A_46 = vector.broadcast %sign3A_45 : i32 to vector<4096x16xi32>
    %sign3A_47 = arith.cmpi sgt, %iota3A_41, %sign3A_46 : vector<4096x16xi32>
    %sign3A_48 = arith.extui %sign3A_47 : vector<4096x16xi1> to vector<4096x16xi32>
    %sign3A_49 = arith.constant 0 : i32
    %sign3A_50 = vector.broadcast %sign3A_49 : i32 to vector<4096x16xi32>
    %sign3A_51 = arith.cmpi slt, %iota3A_41, %sign3A_50 : vector<4096x16xi32>
    %sign3A_52 = arith.extui %sign3A_51 : vector<4096x16xi1> to vector<4096x16xi32>
    %sign3A_53 = arith.subi %sign3A_48, %sign3A_52 : vector<4096x16xi32>
    %sign3A_54 = arith.constant 0 : i32
    %sign3A_55 = arith.cmpi sgt, %jit3A_42, %sign3A_54 : i32
    %sign3A_56 = arith.extui %sign3A_55 : i1 to i32
    %sign3A_57 = arith.constant 0 : i32
    %sign3A_58 = arith.cmpi slt, %jit3A_42, %sign3A_57 : i32
    %sign3A_59 = arith.extui %sign3A_58 : i1 to i32
    %sign3A_60 = arith.subi %sign3A_56, %sign3A_59 : i32
    %ne3A_61 = vector.broadcast %sign3A_60 : i32 to vector<4096x16xi32>
    %ne3A_62 = arith.cmpi ne, %sign3A_53, %ne3A_61 : vector<4096x16xi32>
    %rem3A_63 = vector.broadcast %jit3A_42 : i32 to vector<4096x16xi32>
    %rem3A_64 = arith.remsi %iota3A_41, %rem3A_63 : vector<4096x16xi32>
    %ne3A_65 = arith.constant 0 : i32
    %ne3A_66 = vector.broadcast %ne3A_65 : i32 to vector<4096x16xi32>
    %ne3A_67 = arith.cmpi ne, %rem3A_64, %ne3A_66 : vector<4096x16xi32>
    %and3A_68 = arith.andi %ne3A_62, %ne3A_67 : vector<4096x16xi1>
    %sub3A_69 = arith.constant 1 : i32
    %sub3A_70 = vector.broadcast %sub3A_69 : i32 to vector<4096x16xi32>
    %sub3A_71 = arith.subi %div3A_44, %sub3A_70 : vector<4096x16xi32>
    %select_n3A_72 = arith.select %and3A_68, %sub3A_71, %div3A_44 : vector<4096x16xi1>, vector<4096x16xi32>
    %iota3A_73 = tpu.iota {dimensions = array<i32: 1>} : vector<4096x16xi32>
    %eq3A_74 = arith.cmpi eq, %select_n3A_72, %iota3A_73 : vector<4096x16xi32>
    %convert_element_type3A_75 = arith.extui %eq3A_74 : vector<4096x16xi1> to vector<4096x16xi32>
    %convert_element_type3A_76 = arith.sitofp %convert_element_type3A_75 : vector<4096x16xi32> to vector<4096x16xf32>
    %convert_element_type3A_77 = arith.extui %gt3A_40 : vector<16x1xi1> to vector<16x1xi32>
    %convert_element_type3A_78 = arith.sitofp %convert_element_type3A_77 : vector<16x1xi32> to vector<16x1xf32>
    %broadcast_in_dim3A_79 = vector.shape_cast %convert_element_type3A_78 : vector<16x1xf32> to vector<16x1xf32>
    %broadcast_in_dim3A_80 = vector.broadcast %broadcast_in_dim3A_79 : vector<16x1xf32> to vector<16x128xf32>
    %dot_general3A_81 = arith.constant dense<0.000000e+00> : vector<4096x128xf32>
    %dot_general3A_82 = tpu.matmul %convert_element_type3A_76, %broadcast_in_dim3A_80, %dot_general3A_81 {dimension_numbers = #tpu.dot_dimension_numbers<[1], [0], [0], [1], [0, 0, 1, 1], [], []>, transpose_lhs_hint = false} : vector<4096x16xf32>, vector<16x128xf32>, vector<4096x128xf32> -> vector<4096x128xf32>
    %gt3A_83 = arith.constant 5.000000e-01 : f32
    %gt3A_84 = vector.broadcast %gt3A_83 : f32 to vector<4096x128xf32>
    %gt3A_85 = arith.cmpf ogt, %dot_general3A_82, %gt3A_84 : vector<4096x128xf32>
    %neg3A = arith.constant 0.000000e+00 : f32
    %neg3A_86 = vector.broadcast %neg3A : f32 to vector<4096x128xf32>
    %neg3A_87 = arith.subf %neg3A_86, %get3A_4 : vector<4096x128xf32>
    %select_n3A_88 = arith.select %gt3A_85, %neg3A_87, %get3A_1 : vector<4096x128xi1>, vector<4096x128xf32>
    %convert_element_type3A_89 = arith.truncf %select_n3A_88 : vector<4096x128xf32> to vector<4096x128xbf16>
    %convert_element_type3A_90 = arith.extf %convert_element_type3A_89 : vector<4096x128xbf16> to vector<4096x128xf32>
    %sub3A_91 = arith.subf %select_n3A_88, %convert_element_type3A_90 : vector<4096x128xf32>
    %convert_element_type3A_92 = arith.truncf %sub3A_91 : vector<4096x128xf32> to vector<4096x128xbf16>
    %convert_element_type3A_93 = arith.extf %convert_element_type3A_92 : vector<4096x128xbf16> to vector<4096x128xf32>
    %sub3A_94 = arith.subf %sub3A_91, %convert_element_type3A_93 : vector<4096x128xf32>
    %convert_element_type3A_95 = arith.truncf %sub3A_94 : vector<4096x128xf32> to vector<4096x128xbf16>
    %convert_element_type3A_96 = arith.truncf %convert_element_type3A_33 : vector<16x4096xf32> to vector<16x4096xbf16>
    %reduce_min3A = arith.constant dense<0x7F800000> : vector<4096xf32>
    %reduce_min3A_97 = vector.multi_reduction <minimumf>, %select_n3A_88, %reduce_min3A [1] : vector<4096x128xf32> to vector<4096xf32>
    %broadcast_in_dim3A_98 = vector.shape_cast %reduce_min3A_97 : vector<4096xf32> to vector<4096x1xf32>
    %iota3A_99 = tpu.iota {dimensions = array<i32: 0>} : vector<4096x256xi32>
    %jit3A_100 = arith.constant 256 : i32
    %eq3A_101 = arith.constant 0 : i32
    %eq3A_102 = arith.cmpi eq, %jit3A_100, %eq3A_101 : i32
    %jit3A_103 = arith.constant 1 : i32
    %select_n3A_104 = arith.select %eq3A_102, %jit3A_103, %jit3A_100 : i32
    %rem3A_105 = vector.broadcast %select_n3A_104 : i32 to vector<4096x256xi32>
    %rem3A_106 = arith.remsi %iota3A_99, %rem3A_105 : vector<4096x256xi32>
    %ne3A_107 = arith.constant 0 : i32
    %ne3A_108 = vector.broadcast %ne3A_107 : i32 to vector<4096x256xi32>
    %ne3A_109 = arith.cmpi ne, %rem3A_106, %ne3A_108 : vector<4096x256xi32>
    %lt3A = arith.constant 0 : i32
    %lt3A_110 = vector.broadcast %lt3A : i32 to vector<4096x256xi32>
    %lt3A_111 = arith.cmpi slt, %rem3A_106, %lt3A_110 : vector<4096x256xi32>
    %lt3A_112 = arith.constant 0 : i32
    %lt3A_113 = arith.cmpi slt, %select_n3A_104, %lt3A_112 : i32
    %ne3A_114 = vector.broadcast %lt3A_113 : i1 to vector<4096x256xi1>
    %ne3A_115 = vector.broadcast %ne3A_114 : vector<4096x256xi1> to vector<4096x256xi1>
    %ne3A_116 = arith.xori %lt3A_111, %ne3A_115 : vector<4096x256xi1>
    %and3A_117 = arith.andi %ne3A_116, %ne3A_109 : vector<4096x256xi1>
    %add3A = vector.broadcast %select_n3A_104 : i32 to vector<4096x256xi32>
    %add3A_118 = arith.addi %rem3A_106, %add3A : vector<4096x256xi32>
    %select_n3A_119 = arith.select %and3A_117, %add3A_118, %rem3A_106 : vector<4096x256xi1>, vector<4096x256xi32>
    %iota3A_120 = tpu.iota {dimensions = array<i32: 1>} : vector<4096x256xi32>
    %eq3A_121 = arith.cmpi eq, %select_n3A_119, %iota3A_120 : vector<4096x256xi32>
    %convert_element_type3A_122 = arith.extui %eq3A_121 : vector<4096x256xi1> to vector<4096x256xi32>
    %convert_element_type3A_123 = arith.sitofp %convert_element_type3A_122 : vector<4096x256xi32> to vector<4096x256xf32>
    %convert_element_type3A_124 = arith.truncf %broadcast_in_dim3A_98 : vector<4096x1xf32> to vector<4096x1xbf16>
    %convert_element_type3A_125 = arith.extf %convert_element_type3A_124 : vector<4096x1xbf16> to vector<4096x1xf32>
    %sub3A_126 = arith.subf %broadcast_in_dim3A_98, %convert_element_type3A_125 : vector<4096x1xf32>
    %convert_element_type3A_127 = arith.truncf %sub3A_126 : vector<4096x1xf32> to vector<4096x1xbf16>
    %convert_element_type3A_128 = arith.extf %convert_element_type3A_127 : vector<4096x1xbf16> to vector<4096x1xf32>
    %sub3A_129 = arith.subf %sub3A_126, %convert_element_type3A_128 : vector<4096x1xf32>
    %convert_element_type3A_130 = arith.truncf %sub3A_129 : vector<4096x1xf32> to vector<4096x1xbf16>
    %convert_element_type3A_131 = arith.extf %convert_element_type3A_124 : vector<4096x1xbf16> to vector<4096x1xf32>
    %broadcast_in_dim3A_132 = vector.shape_cast %convert_element_type3A_131 : vector<4096x1xf32> to vector<4096x1xf32>
    %broadcast_in_dim3A_133 = vector.broadcast %broadcast_in_dim3A_132 : vector<4096x1xf32> to vector<4096x256xf32>
    %mul3A = arith.mulf %broadcast_in_dim3A_133, %convert_element_type3A_123 : vector<4096x256xf32>
    %convert_element_type3A_134 = arith.truncf %mul3A : vector<4096x256xf32> to vector<4096x256xbf16>
    %convert_element_type3A_135 = arith.extf %convert_element_type3A_127 : vector<4096x1xbf16> to vector<4096x1xf32>
    %broadcast_in_dim3A_136 = vector.shape_cast %convert_element_type3A_135 : vector<4096x1xf32> to vector<4096x1xf32>
    %broadcast_in_dim3A_137 = vector.broadcast %broadcast_in_dim3A_136 : vector<4096x1xf32> to vector<4096x256xf32>
    %mul3A_138 = arith.mulf %broadcast_in_dim3A_137, %convert_element_type3A_123 : vector<4096x256xf32>
    %convert_element_type3A_139 = arith.truncf %mul3A_138 : vector<4096x256xf32> to vector<4096x256xbf16>
    %convert_element_type3A_140 = arith.extf %convert_element_type3A_130 : vector<4096x1xbf16> to vector<4096x1xf32>
    %broadcast_in_dim3A_141 = vector.shape_cast %convert_element_type3A_140 : vector<4096x1xf32> to vector<4096x1xf32>
    %broadcast_in_dim3A_142 = vector.broadcast %broadcast_in_dim3A_141 : vector<4096x1xf32> to vector<4096x256xf32>
    %mul3A_143 = arith.mulf %broadcast_in_dim3A_142, %convert_element_type3A_123 : vector<4096x256xf32>
    %convert_element_type3A_144 = arith.truncf %mul3A_143 : vector<4096x256xf32> to vector<4096x256xbf16>
    %dot_general3A_145 = arith.constant dense<0.000000e+00> : vector<16x256xf32>
    %dot_general3A_146 = tpu.matmul %convert_element_type3A_96, %convert_element_type3A_134, %dot_general3A_145 {dimension_numbers = #tpu.dot_dimension_numbers<[1], [0], [0], [1], [0, 0, 1, 1], [], []>, transpose_lhs_hint = false} : vector<16x4096xbf16>, vector<4096x256xbf16>, vector<16x256xf32> -> vector<16x256xf32>
    %dot_general3A_147 = arith.constant dense<0.000000e+00> : vector<16x256xf32>
    %dot_general3A_148 = tpu.matmul %convert_element_type3A_96, %convert_element_type3A_139, %dot_general3A_147 {dimension_numbers = #tpu.dot_dimension_numbers<[1], [0], [0], [1], [0, 0, 1, 1], [], []>, transpose_lhs_hint = false} : vector<16x4096xbf16>, vector<4096x256xbf16>, vector<16x256xf32> -> vector<16x256xf32>
    %dot_general3A_149 = arith.constant dense<0.000000e+00> : vector<16x256xf32>
    %dot_general3A_150 = tpu.matmul %convert_element_type3A_96, %convert_element_type3A_144, %dot_general3A_149 {dimension_numbers = #tpu.dot_dimension_numbers<[1], [0], [0], [1], [0, 0, 1, 1], [], []>, transpose_lhs_hint = false} : vector<16x4096xbf16>, vector<4096x256xbf16>, vector<16x256xf32> -> vector<16x256xf32>
    %add3A_151 = arith.addf %dot_general3A_146, %dot_general3A_148 : vector<16x256xf32>
    %add3A_152 = arith.addf %add3A_151, %dot_general3A_150 : vector<16x256xf32>
    %neg3A_153 = arith.constant 0.000000e+00 : f32
    %neg3A_154 = arith.constant 0x7F800000 : f32
    %neg3A_155 = arith.subf %neg3A_153, %neg3A_154 : f32
    %broadcast_in_dim3A_156 = vector.broadcast %neg3A_155 : f32 to vector<16x256xf32>
    %broadcast_in_dim3A_157 = arith.constant -1 : i32
    %broadcast_in_dim3A_158 = vector.broadcast %broadcast_in_dim3A_157 : i32 to vector<16x256xi32>
    %broadcast_in_dim3A_159 = arith.constant 0.000000e+00 : f32
    %broadcast_in_dim3A_160 = vector.broadcast %broadcast_in_dim3A_159 : f32 to vector<16x256xf32>
    %broadcast_in_dim3A_161 = arith.constant 0 : i32
    %broadcast_in_dim3A_162 = vector.broadcast %broadcast_in_dim3A_161 : i32 to vector<16x256xi32>
    %scan3A = arith.constant 0x7F800000 : f32
    %scan3A_163 = arith.constant 0 : i32
    %scan3A_164 = arith.constant 256 : i32
    %scan3A_165 = arith.addi %scan3A_163, %scan3A_164 : i32
    %scan3A_166 = arith.constant 1 : i32
    %scan3A_167:5 = scf.for %scan3A_178 = %scan3A_163 to %scan3A_165 step %scan3A_166 iter_args(%scan3A_179 = %add3A_152, %scan3A_180 = %broadcast_in_dim3A_156, %scan3A_181 = %broadcast_in_dim3A_158, %scan3A_182 = %broadcast_in_dim3A_160, %scan3A_183 = %broadcast_in_dim3A_162) -> (vector<16x256xf32>, vector<16x256xf32>, vector<16x256xi32>, vector<16x256xf32>, vector<16x256xi32>)  : i32 {
      %reduce_min3A_184 = arith.constant dense<0x7F800000> : vector<16xf32>
      %reduce_min3A_185 = vector.multi_reduction <minimumf>, %scan3A_179, %reduce_min3A_184 [1] : vector<16x256xf32> to vector<16xf32>
      %broadcast_in_dim3A_186 = vector.shape_cast %reduce_min3A_185 : vector<16xf32> to vector<16x1xf32>
      %eq3A_187 = vector.broadcast %broadcast_in_dim3A_186 : vector<16x1xf32> to vector<16x256xf32>
      %eq3A_188 = arith.cmpf oeq, %scan3A_179, %eq3A_187 : vector<16x256xf32>
      %jit3A_189 = arith.constant 256 : i32
      %broadcast_in_dim3A_190 = vector.broadcast %jit3A_189 : i32 to vector<16x256xi32>
      %select_n3A_191 = arith.select %eq3A_188, %iota3A_6, %broadcast_in_dim3A_190 : vector<16x256xi1>, vector<16x256xi32>
      %reduce_min3A_192 = arith.constant dense<2147483647> : vector<16xi32>
      %reduce_min3A_193 = vector.multi_reduction <minsi>, %select_n3A_191, %reduce_min3A_192 [1] : vector<16x256xi32> to vector<16xi32>
      %broadcast_in_dim3A_194 = vector.shape_cast %reduce_min3A_193 : vector<16xi32> to vector<16x1xi32>
      %eq3A_195 = vector.broadcast %broadcast_in_dim3A_194 : vector<16x1xi32> to vector<16x256xi32>
      %eq3A_196 = arith.cmpi eq, %iota3A_6, %eq3A_195 : vector<16x256xi32>
      %mul3A_197 = arith.constant 256 : i32
      %mul3A_198 = vector.broadcast %mul3A_197 : i32 to vector<16x1xi32>
      %mul3A_199 = arith.muli %iota3A_5, %mul3A_198 : vector<16x1xi32>
      %add3A_200 = arith.addi %mul3A_199, %broadcast_in_dim3A_194 : vector<16x1xi32>
      %eq3A_201 = vector.broadcast %add3A_200 : vector<16x1xi32> to vector<16x4096xi32>
      %eq3A_202 = arith.cmpi eq, %iota3A, %eq3A_201 : vector<16x4096xi32>
      %convert_element_type3A_203 = arith.extui %eq3A_202 : vector<16x4096xi1> to vector<16x4096xi32>
      %convert_element_type3A_204 = arith.sitofp %convert_element_type3A_203 : vector<16x4096xi32> to vector<16x4096xf32>
      %convert_element_type3A_205 = arith.truncf %convert_element_type3A_204 : vector<16x4096xf32> to vector<16x4096xbf16>
      %dot_general3A_206 = arith.constant dense<0.000000e+00> : vector<16x128xf32>
      %dot_general3A_207 = tpu.matmul %convert_element_type3A_205, %convert_element_type3A_89, %dot_general3A_206 {dimension_numbers = #tpu.dot_dimension_numbers<[1], [0], [0], [1], [0, 0, 1, 1], [], []>, transpose_lhs_hint = false} : vector<16x4096xbf16>, vector<4096x128xbf16>, vector<16x128xf32> -> vector<16x128xf32>
      %dot_general3A_208 = arith.constant dense<0.000000e+00> : vector<16x128xf32>
      %dot_general3A_209 = tpu.matmul %convert_element_type3A_205, %convert_element_type3A_92, %dot_general3A_208 {dimension_numbers = #tpu.dot_dimension_numbers<[1], [0], [0], [1], [0, 0, 1, 1], [], []>, transpose_lhs_hint = false} : vector<16x4096xbf16>, vector<4096x128xbf16>, vector<16x128xf32> -> vector<16x128xf32>
      %dot_general3A_210 = arith.constant dense<0.000000e+00> : vector<16x128xf32>
      %dot_general3A_211 = tpu.matmul %convert_element_type3A_205, %convert_element_type3A_95, %dot_general3A_210 {dimension_numbers = #tpu.dot_dimension_numbers<[1], [0], [0], [1], [0, 0, 1, 1], [], []>, transpose_lhs_hint = false} : vector<16x4096xbf16>, vector<4096x128xbf16>, vector<16x128xf32> -> vector<16x128xf32>
      %add3A_212 = arith.addf %dot_general3A_207, %dot_general3A_209 : vector<16x128xf32>
      %add3A_213 = arith.addf %add3A_212, %dot_general3A_211 : vector<16x128xf32>
      %neg3A_214 = arith.constant 0.000000e+00 : f32
      %neg3A_215 = arith.subf %neg3A_214, %scan3A : f32
      %broadcast_in_dim3A_216 = vector.broadcast %neg3A_215 : f32 to vector<16x256xf32>
      %select_n3A_217 = arith.select %eq3A_196, %scan3A_180, %broadcast_in_dim3A_216 : vector<16x256xi1>, vector<16x256xf32>
      %reduce_max3A = arith.constant dense<0xFF800000> : vector<16xf32>
      %reduce_max3A_218 = vector.multi_reduction <maximumf>, %select_n3A_217, %reduce_max3A [1] : vector<16x256xf32> to vector<16xf32>
      %broadcast_in_dim3A_219 = vector.shape_cast %reduce_max3A_218 : vector<16xf32> to vector<16x1xf32>
      %jit3A_220 = arith.constant -1 : i32
      %broadcast_in_dim3A_221 = vector.broadcast %jit3A_220 : i32 to vector<16x256xi32>
      %select_n3A_222 = arith.select %eq3A_196, %scan3A_181, %broadcast_in_dim3A_221 : vector<16x256xi1>, vector<16x256xi32>
      %reduce_max3A_223 = arith.constant dense<-2147483648> : vector<16xi32>
      %reduce_max3A_224 = vector.multi_reduction <maxsi>, %select_n3A_222, %reduce_max3A_223 [1] : vector<16x256xi32> to vector<16xi32>
      %broadcast_in_dim3A_225 = vector.shape_cast %reduce_max3A_224 : vector<16xi32> to vector<16x1xi32>
      %lt3A_226 = vector.broadcast %broadcast_in_dim3A_219 : vector<16x1xf32> to vector<16x128xf32>
      %lt3A_227 = arith.cmpf olt, %add3A_213, %lt3A_226 : vector<16x128xf32>
      %eq3A_228 = vector.broadcast %broadcast_in_dim3A_219 : vector<16x1xf32> to vector<16x128xf32>
      %eq3A_229 = arith.cmpf oeq, %add3A_213, %eq3A_228 : vector<16x128xf32>
      %le3A = vector.broadcast %broadcast_in_dim3A_225 : vector<16x1xi32> to vector<16x128xi32>
      %le3A_230 = arith.cmpi sle, %iota3A_7, %le3A : vector<16x128xi32>
      %and3A_231 = arith.andi %eq3A_229, %le3A_230 : vector<16x128xi1>
      %or3A = arith.ori %lt3A_227, %and3A_231 : vector<16x128xi1>
      %broadcast_in_dim3A_232 = vector.broadcast %scan3A : f32 to vector<16x128xf32>
      %select_n3A_233 = arith.select %or3A, %broadcast_in_dim3A_232, %add3A_213 : vector<16x128xi1>, vector<16x128xf32>
      %eq3A_234 = vector.broadcast %broadcast_in_dim3A_186 : vector<16x1xf32> to vector<16x128xf32>
      %eq3A_235 = arith.cmpf oeq, %select_n3A_233, %eq3A_234 : vector<16x128xf32>
      %jit3A_236 = arith.constant 128 : i32
      %broadcast_in_dim3A_237 = vector.broadcast %jit3A_236 : i32 to vector<16x128xi32>
      %select_n3A_238 = arith.select %eq3A_235, %iota3A_7, %broadcast_in_dim3A_237 : vector<16x128xi1>, vector<16x128xi32>
      %reduce_min3A_239 = arith.constant dense<2147483647> : vector<16xi32>
      %reduce_min3A_240 = vector.multi_reduction <minsi>, %select_n3A_238, %reduce_min3A_239 [1] : vector<16x128xi32> to vector<16xi32>
      %broadcast_in_dim3A_241 = vector.shape_cast %reduce_min3A_240 : vector<16xi32> to vector<16x1xi32>
      %lt3A_242 = vector.broadcast %broadcast_in_dim3A_186 : vector<16x1xf32> to vector<16x128xf32>
      %lt3A_243 = arith.cmpf olt, %select_n3A_233, %lt3A_242 : vector<16x128xf32>
      %or3A_244 = arith.ori %or3A, %lt3A_243 : vector<16x128xi1>
      %eq3A_245 = vector.broadcast %broadcast_in_dim3A_186 : vector<16x1xf32> to vector<16x128xf32>
      %eq3A_246 = arith.cmpf oeq, %select_n3A_233, %eq3A_245 : vector<16x128xf32>
      %le3A_247 = vector.broadcast %broadcast_in_dim3A_241 : vector<16x1xi32> to vector<16x128xi32>
      %le3A_248 = arith.cmpi sle, %iota3A_7, %le3A_247 : vector<16x128xi32>
      %and3A_249 = arith.andi %eq3A_246, %le3A_248 : vector<16x128xi1>
      %or3A_250 = arith.ori %or3A_244, %and3A_249 : vector<16x128xi1>
      %broadcast_in_dim3A_251 = vector.broadcast %scan3A : f32 to vector<16x128xf32>
      %select_n3A_252 = arith.select %or3A_250, %broadcast_in_dim3A_251, %add3A_213 : vector<16x128xi1>, vector<16x128xf32>
      %reduce_min3A_253 = arith.constant dense<0x7F800000> : vector<16xf32>
      %reduce_min3A_254 = vector.multi_reduction <minimumf>, %select_n3A_252, %reduce_min3A_253 [1] : vector<16x128xf32> to vector<16xf32>
      %broadcast_in_dim3A_255 = vector.shape_cast %reduce_min3A_254 : vector<16xf32> to vector<16x1xf32>
      %broadcast_in_dim3A_256 = vector.shape_cast %broadcast_in_dim3A_255 : vector<16x1xf32> to vector<16x1xf32>
      %broadcast_in_dim3A_257 = vector.broadcast %broadcast_in_dim3A_256 : vector<16x1xf32> to vector<16x256xf32>
      %select_n3A_258 = arith.select %eq3A_196, %broadcast_in_dim3A_257, %scan3A_179 : vector<16x256xi1>, vector<16x256xf32>
      %broadcast_in_dim3A_259 = vector.shape_cast %broadcast_in_dim3A_186 : vector<16x1xf32> to vector<16x1xf32>
      %broadcast_in_dim3A_260 = vector.broadcast %broadcast_in_dim3A_259 : vector<16x1xf32> to vector<16x256xf32>
      %select_n3A_261 = arith.select %eq3A_196, %broadcast_in_dim3A_260, %scan3A_180 : vector<16x256xi1>, vector<16x256xf32>
      %broadcast_in_dim3A_262 = vector.shape_cast %broadcast_in_dim3A_241 : vector<16x1xi32> to vector<16x1xi32>
      %broadcast_in_dim3A_263 = vector.broadcast %broadcast_in_dim3A_262 : vector<16x1xi32> to vector<16x256xi32>
      %select_n3A_264 = arith.select %eq3A_196, %broadcast_in_dim3A_263, %scan3A_181 : vector<16x256xi1>, vector<16x256xi32>
      %eq3A_265 = vector.broadcast %scan3A_178 : i32 to vector<16x256xi32>
      %eq3A_266 = arith.cmpi eq, %iota3A_8, %eq3A_265 : vector<16x256xi32>
      %broadcast_in_dim3A_267 = vector.shape_cast %broadcast_in_dim3A_186 : vector<16x1xf32> to vector<16x1xf32>
      %broadcast_in_dim3A_268 = vector.broadcast %broadcast_in_dim3A_267 : vector<16x1xf32> to vector<16x256xf32>
      %select_n3A_269 = arith.select %eq3A_266, %broadcast_in_dim3A_268, %scan3A_182 : vector<16x256xi1>, vector<16x256xf32>
      %mul3A_270 = arith.constant 128 : i32
      %mul3A_271 = vector.broadcast %mul3A_270 : i32 to vector<16x1xi32>
      %mul3A_272 = arith.muli %broadcast_in_dim3A_194, %mul3A_271 : vector<16x1xi32>
      %add3A_273 = arith.addi %mul3A_272, %broadcast_in_dim3A_241 : vector<16x1xi32>
      %broadcast_in_dim3A_274 = vector.shape_cast %add3A_273 : vector<16x1xi32> to vector<16x1xi32>
      %broadcast_in_dim3A_275 = vector.broadcast %broadcast_in_dim3A_274 : vector<16x1xi32> to vector<16x256xi32>
      %select_n3A_276 = arith.select %eq3A_266, %broadcast_in_dim3A_275, %scan3A_183 : vector<16x256xi1>, vector<16x256xi32>
      scf.yield %select_n3A_258, %select_n3A_261, %select_n3A_264, %select_n3A_269, %select_n3A_276 : vector<16x256xf32>, vector<16x256xf32>, vector<16x256xi32>, vector<16x256xf32>, vector<16x256xi32>
    }
    %scan3A_168 = arith.constant 256 : i32
    %convert_element_type3A_169 = arith.extui %gt3A_40 : vector<16x1xi1> to vector<16x1xi32>
    %swap3A = arith.constant 0 : index
    %swap3A_170 = arith.constant 0 : index
    %swap3A_171 = vector.load %arg3[%swap3A, %swap3A_170] : memref<16x1xi32, #tpu.memory_space<vmem>>, vector<16x1xi32>
    tpu.vector_store %arg3[%swap3A, %swap3A_170], %convert_element_type3A_169 {strides = array<i32>} : memref<16x1xi32, #tpu.memory_space<vmem>>, vector<16x1xi32>,
    %swap3A_172 = arith.constant 0 : index
    %swap3A_173 = arith.constant 0 : index
    %swap3A_174 = vector.load %arg4[%swap3A_172, %swap3A_173] : memref<16x256xi32, #tpu.memory_space<vmem>>, vector<16x256xi32>
    tpu.vector_store %arg4[%swap3A_172, %swap3A_173], %scan3A_167#4 {strides = array<i32>} : memref<16x256xi32, #tpu.memory_space<vmem>>, vector<16x256xi32>,
    %swap3A_175 = arith.constant 0 : index
    %swap3A_176 = arith.constant 0 : index
    %swap3A_177 = vector.load %arg5[%swap3A_175, %swap3A_176] : memref<16x256xf32, #tpu.memory_space<vmem>>, vector<16x256xf32>
    tpu.vector_store %arg5[%swap3A_175, %swap3A_176], %scan3A_167#3 {strides = array<i32>} : memref<16x256xf32, #tpu.memory_space<vmem>>, vector<16x256xf32>,
    return
  }
  func.func @transform_0(%arg0: i32) -> (i32, i32) {
    %c0_i32 = arith.constant 0 : i32
    %c0_i32_0 = arith.constant 0 : i32
    return %arg0, %c0_i32 : i32, i32
  }
  func.func @transform_1(%arg0: i32) -> (i32, i32) {
    %c0_i32 = arith.constant 0 : i32
    %c0_i32_0 = arith.constant 0 : i32
    return %arg0, %c0_i32 : i32, i32
  }
  func.func @transform_2(%arg0: i32) -> (i32, i32) {
    %c0_i32 = arith.constant 0 : i32
    %c0_i32_0 = arith.constant 0 : i32
    return %arg0, %c0_i32 : i32, i32
  }
  func.func @transform_3(%arg0: i32) -> (i32, i32) {
    %c0_i32 = arith.constant 0 : i32
    %c0_i32_0 = arith.constant 0 : i32
    return %arg0, %c0_i32 : i32, i32
  }
  func.func @transform_4(%arg0: i32) -> (i32, i32) {
    %c0_i32 = arith.constant 0 : i32
    %c0_i32_0 = arith.constant 0 : i32
    return %arg0, %c0_i32 : i32, i32
  }
}

module attributes {stable_mosaic.version = 14 : i64} {
  func.func @_gather_mlp_body(%arg0: i32, %arg1: memref<1x256x768xf32, #tpu.memory_space<vmem>>, %arg2: memref<1x256x1xi32, #tpu.memory_space<vmem>>, %arg3: memref<1x256x1xf32, #tpu.memory_space<vmem>>, %arg4: memref<1x8x64xf32, #tpu.memory_space<vmem>>, %arg5: memref<1x1x64xf32, #tpu.memory_space<vmem>>, %arg6: memref<1x1x64xf32, #tpu.memory_space<vmem>>, %arg7: memref<1x1x64xf32, #tpu.memory_space<vmem>>, %arg8: memref<1x1x64xf32, #tpu.memory_space<vmem>>, %arg9: memref<1x256x1xf32, #tpu.memory_space<vmem>>) attributes {dimension_semantics = [#tpu.dimension_semantics<arbitrary>], iteration_bounds = array<i64: 128>, scalar_prefetch = 0 : i64, scratch_operands = 0 : i64, tpu.core_type = #tpu.core_type<tc>, window_params = [{transform_indices = @transform_0, window_bounds = array<i64: 1, 256, 768>}, {transform_indices = @transform_1, window_bounds = array<i64: 1, 256, 1>}, {transform_indices = @transform_2, window_bounds = array<i64: 1, 256, 1>}, {transform_indices = @transform_3, window_bounds = array<i64: 1, 8, 64>}, {transform_indices = @transform_4, window_bounds = array<i64: 1, 1, 64>}, {transform_indices = @transform_5, window_bounds = array<i64: 1, 1, 64>}, {transform_indices = @transform_6, window_bounds = array<i64: 1, 1, 64>}, {transform_indices = @transform_7, window_bounds = array<i64: 1, 1, 64>}, {transform_indices = @transform_8, window_bounds = array<i64: 1, 256, 1>}]} {
    %get3A = arith.constant 0 : index
    %get3A_0 = arith.constant 0 : index
    %get3A_1 = arith.constant 0 : index
    %get3A_2 = vector.load %arg1[%get3A, %get3A_0, %get3A_1] : memref<1x256x768xf32, #tpu.memory_space<vmem>>, vector<1x256x768xf32>
    %get3A_3 = vector.shape_cast %get3A_2 : vector<1x256x768xf32> to vector<256x768xf32>
    %get3A_4 = arith.constant 0 : index
    %get3A_5 = arith.constant 0 : index
    %get3A_6 = arith.constant 0 : index
    %get3A_7 = vector.load %arg2[%get3A_4, %get3A_5, %get3A_6] : memref<1x256x1xi32, #tpu.memory_space<vmem>>, vector<1x256x1xi32>
    %get3A_8 = vector.shape_cast %get3A_7 : vector<1x256x1xi32> to vector<256x1xi32>
    %jit3A = arith.constant 128 : i32
    %div3A = vector.broadcast %jit3A : i32 to vector<256x1xi32>
    %div3A_9 = arith.divsi %get3A_8, %div3A : vector<256x1xi32>
    %sign3A = arith.constant 0 : i32
    %sign3A_10 = vector.broadcast %sign3A : i32 to vector<256x1xi32>
    %sign3A_11 = arith.cmpi sgt, %get3A_8, %sign3A_10 : vector<256x1xi32>
    %sign3A_12 = arith.extui %sign3A_11 : vector<256x1xi1> to vector<256x1xi32>
    %sign3A_13 = arith.constant 0 : i32
    %sign3A_14 = vector.broadcast %sign3A_13 : i32 to vector<256x1xi32>
    %sign3A_15 = arith.cmpi slt, %get3A_8, %sign3A_14 : vector<256x1xi32>
    %sign3A_16 = arith.extui %sign3A_15 : vector<256x1xi1> to vector<256x1xi32>
    %sign3A_17 = arith.subi %sign3A_12, %sign3A_16 : vector<256x1xi32>
    %sign3A_18 = arith.constant 0 : i32
    %sign3A_19 = arith.cmpi sgt, %jit3A, %sign3A_18 : i32
    %sign3A_20 = arith.extui %sign3A_19 : i1 to i32
    %sign3A_21 = arith.constant 0 : i32
    %sign3A_22 = arith.cmpi slt, %jit3A, %sign3A_21 : i32
    %sign3A_23 = arith.extui %sign3A_22 : i1 to i32
    %sign3A_24 = arith.subi %sign3A_20, %sign3A_23 : i32
    %ne3A = vector.broadcast %sign3A_24 : i32 to vector<256x1xi32>
    %ne3A_25 = arith.cmpi ne, %sign3A_17, %ne3A : vector<256x1xi32>
    %rem3A = vector.broadcast %jit3A : i32 to vector<256x1xi32>
    %rem3A_26 = arith.remsi %get3A_8, %rem3A : vector<256x1xi32>
    %ne3A_27 = arith.constant 0 : i32
    %ne3A_28 = vector.broadcast %ne3A_27 : i32 to vector<256x1xi32>
    %ne3A_29 = arith.cmpi ne, %rem3A_26, %ne3A_28 : vector<256x1xi32>
    %and3A = arith.andi %ne3A_25, %ne3A_29 : vector<256x1xi1>
    %sub3A = arith.constant 1 : i32
    %sub3A_30 = vector.broadcast %sub3A : i32 to vector<256x1xi32>
    %sub3A_31 = arith.subi %div3A_9, %sub3A_30 : vector<256x1xi32>
    %select_n3A = arith.select %and3A, %sub3A_31, %div3A_9 : vector<256x1xi1>, vector<256x1xi32>
    %mul3A = arith.constant 128 : i32
    %mul3A_32 = vector.broadcast %mul3A : i32 to vector<256x1xi32>
    %mul3A_33 = arith.muli %select_n3A, %mul3A_32 : vector<256x1xi32>
    %sub3A_34 = arith.subi %get3A_8, %mul3A_33 : vector<256x1xi32>
    %iota3A = tpu.iota {dimensions = array<i32: 1>} : vector<256x256xi32>
    %eq3A = vector.broadcast %select_n3A : vector<256x1xi32> to vector<256x256xi32>
    %eq3A_35 = arith.cmpi eq, %iota3A, %eq3A : vector<256x256xi32>
    %convert_element_type3A = arith.extui %eq3A_35 : vector<256x256xi1> to vector<256x256xi32>
    %convert_element_type3A_36 = arith.sitofp %convert_element_type3A : vector<256x256xi32> to vector<256x256xf32>
    %dot_general3A = arith.constant dense<0.000000e+00> : vector<256x768xf32>
    %dot_general3A_37 = tpu.matmul %convert_element_type3A_36, %get3A_3, %dot_general3A {dimension_numbers = #tpu.dot_dimension_numbers<[1], [0], [0], [1], [0, 0, 1, 1], [], []>, transpose_lhs_hint = false} : vector<256x256xf32>, vector<256x768xf32>, vector<256x768xf32> -> vector<256x768xf32>
    %iota3A_38 = tpu.iota {dimensions = array<i32: 1>} : vector<256x768xi32>
    %jit3A_39 = arith.constant 128 : i32
    %eq3A_40 = arith.constant 0 : i32
    %eq3A_41 = arith.cmpi eq, %jit3A_39, %eq3A_40 : i32
    %jit3A_42 = arith.constant 1 : i32
    %select_n3A_43 = arith.select %eq3A_41, %jit3A_42, %jit3A_39 : i32
    %rem3A_44 = vector.broadcast %select_n3A_43 : i32 to vector<256x768xi32>
    %rem3A_45 = arith.remsi %iota3A_38, %rem3A_44 : vector<256x768xi32>
    %ne3A_46 = arith.constant 0 : i32
    %ne3A_47 = vector.broadcast %ne3A_46 : i32 to vector<256x768xi32>
    %ne3A_48 = arith.cmpi ne, %rem3A_45, %ne3A_47 : vector<256x768xi32>
    %lt3A = arith.constant 0 : i32
    %lt3A_49 = vector.broadcast %lt3A : i32 to vector<256x768xi32>
    %lt3A_50 = arith.cmpi slt, %rem3A_45, %lt3A_49 : vector<256x768xi32>
    %lt3A_51 = arith.constant 0 : i32
    %lt3A_52 = arith.cmpi slt, %select_n3A_43, %lt3A_51 : i32
    %ne3A_53 = vector.broadcast %lt3A_52 : i1 to vector<256x768xi1>
    %ne3A_54 = vector.broadcast %ne3A_53 : vector<256x768xi1> to vector<256x768xi1>
    %ne3A_55 = arith.xori %lt3A_50, %ne3A_54 : vector<256x768xi1>
    %and3A_56 = arith.andi %ne3A_55, %ne3A_48 : vector<256x768xi1>
    %add3A = vector.broadcast %select_n3A_43 : i32 to vector<256x768xi32>
    %add3A_57 = arith.addi %rem3A_45, %add3A : vector<256x768xi32>
    %select_n3A_58 = arith.select %and3A_56, %add3A_57, %rem3A_45 : vector<256x768xi1>, vector<256x768xi32>
    %eq3A_59 = vector.broadcast %sub3A_34 : vector<256x1xi32> to vector<256x768xi32>
    %eq3A_60 = arith.cmpi eq, %select_n3A_58, %eq3A_59 : vector<256x768xi32>
    %convert_element_type3A_61 = arith.extui %eq3A_60 : vector<256x768xi1> to vector<256x768xi32>
    %convert_element_type3A_62 = arith.sitofp %convert_element_type3A_61 : vector<256x768xi32> to vector<256x768xf32>
    %mul3A_63 = arith.mulf %dot_general3A_37, %convert_element_type3A_62 : vector<256x768xf32>
    %iota3A_64 = tpu.iota {dimensions = array<i32: 0>} : vector<768x8xi32>
    %iota3A_65 = tpu.iota {dimensions = array<i32: 1>} : vector<768x8xi32>
    %jit3A_66 = arith.constant 128 : i32
    %div3A_67 = vector.broadcast %jit3A_66 : i32 to vector<768x8xi32>
    %div3A_68 = arith.divsi %iota3A_64, %div3A_67 : vector<768x8xi32>
    %sign3A_69 = arith.constant 0 : i32
    %sign3A_70 = vector.broadcast %sign3A_69 : i32 to vector<768x8xi32>
    %sign3A_71 = arith.cmpi sgt, %iota3A_64, %sign3A_70 : vector<768x8xi32>
    %sign3A_72 = arith.extui %sign3A_71 : vector<768x8xi1> to vector<768x8xi32>
    %sign3A_73 = arith.constant 0 : i32
    %sign3A_74 = vector.broadcast %sign3A_73 : i32 to vector<768x8xi32>
    %sign3A_75 = arith.cmpi slt, %iota3A_64, %sign3A_74 : vector<768x8xi32>
    %sign3A_76 = arith.extui %sign3A_75 : vector<768x8xi1> to vector<768x8xi32>
    %sign3A_77 = arith.subi %sign3A_72, %sign3A_76 : vector<768x8xi32>
    %sign3A_78 = arith.constant 0 : i32
    %sign3A_79 = arith.cmpi sgt, %jit3A_66, %sign3A_78 : i32
    %sign3A_80 = arith.extui %sign3A_79 : i1 to i32
    %sign3A_81 = arith.constant 0 : i32
    %sign3A_82 = arith.cmpi slt, %jit3A_66, %sign3A_81 : i32
    %sign3A_83 = arith.extui %sign3A_82 : i1 to i32
    %sign3A_84 = arith.subi %sign3A_80, %sign3A_83 : i32
    %ne3A_85 = vector.broadcast %sign3A_84 : i32 to vector<768x8xi32>
    %ne3A_86 = arith.cmpi ne, %sign3A_77, %ne3A_85 : vector<768x8xi32>
    %rem3A_87 = vector.broadcast %jit3A_66 : i32 to vector<768x8xi32>
    %rem3A_88 = arith.remsi %iota3A_64, %rem3A_87 : vector<768x8xi32>
    %ne3A_89 = arith.constant 0 : i32
    %ne3A_90 = vector.broadcast %ne3A_89 : i32 to vector<768x8xi32>
    %ne3A_91 = arith.cmpi ne, %rem3A_88, %ne3A_90 : vector<768x8xi32>
    %and3A_92 = arith.andi %ne3A_86, %ne3A_91 : vector<768x8xi1>
    %sub3A_93 = arith.constant 1 : i32
    %sub3A_94 = vector.broadcast %sub3A_93 : i32 to vector<768x8xi32>
    %sub3A_95 = arith.subi %div3A_68, %sub3A_94 : vector<768x8xi32>
    %select_n3A_96 = arith.select %and3A_92, %sub3A_95, %div3A_68 : vector<768x8xi1>, vector<768x8xi32>
    %eq3A_97 = arith.cmpi eq, %select_n3A_96, %iota3A_65 : vector<768x8xi32>
    %convert_element_type3A_98 = arith.extui %eq3A_97 : vector<768x8xi1> to vector<768x8xi32>
    %convert_element_type3A_99 = arith.sitofp %convert_element_type3A_98 : vector<768x8xi32> to vector<768x8xf32>
    %dot_general3A_100 = arith.constant dense<0.000000e+00> : vector<256x8xf32>
    %dot_general3A_101 = tpu.matmul %mul3A_63, %convert_element_type3A_99, %dot_general3A_100 {dimension_numbers = #tpu.dot_dimension_numbers<[1], [0], [0], [1], [0, 0, 1, 1], [], []>, transpose_lhs_hint = false} : vector<256x768xf32>, vector<768x8xf32>, vector<256x8xf32> -> vector<256x8xf32>
    %get3A_102 = arith.constant 0 : index
    %get3A_103 = arith.constant 0 : index
    %get3A_104 = arith.constant 0 : index
    %get3A_105 = vector.load %arg3[%get3A_102, %get3A_103, %get3A_104] : memref<1x256x1xf32, #tpu.memory_space<vmem>>, vector<1x256x1xf32>
    %get3A_106 = vector.shape_cast %get3A_105 : vector<1x256x1xf32> to vector<256x1xf32>
    %get3A_107 = arith.constant 0 : index
    %get3A_108 = arith.constant 0 : index
    %get3A_109 = arith.constant 0 : index
    %get3A_110 = vector.load %arg4[%get3A_107, %get3A_108, %get3A_109] : memref<1x8x64xf32, #tpu.memory_space<vmem>>, vector<1x8x64xf32>
    %get3A_111 = vector.shape_cast %get3A_110 : vector<1x8x64xf32> to vector<8x64xf32>
    %get3A_112 = arith.constant 0 : index
    %get3A_113 = arith.constant 0 : index
    %get3A_114 = arith.constant 0 : index
    %get3A_115 = vector.load %arg5[%get3A_112, %get3A_113, %get3A_114] : memref<1x1x64xf32, #tpu.memory_space<vmem>>, vector<1x1x64xf32>
    %get3A_116 = vector.shape_cast %get3A_115 : vector<1x1x64xf32> to vector<1x64xf32>
    %get3A_117 = arith.constant 0 : index
    %get3A_118 = arith.constant 0 : index
    %get3A_119 = arith.constant 0 : index
    %get3A_120 = vector.load %arg6[%get3A_117, %get3A_118, %get3A_119] : memref<1x1x64xf32, #tpu.memory_space<vmem>>, vector<1x1x64xf32>
    %get3A_121 = vector.shape_cast %get3A_120 : vector<1x1x64xf32> to vector<1x64xf32>
    %get3A_122 = arith.constant 0 : index
    %get3A_123 = arith.constant 0 : index
    %get3A_124 = arith.constant 0 : index
    %get3A_125 = vector.load %arg7[%get3A_122, %get3A_123, %get3A_124] : memref<1x1x64xf32, #tpu.memory_space<vmem>>, vector<1x1x64xf32>
    %get3A_126 = vector.shape_cast %get3A_125 : vector<1x1x64xf32> to vector<1x64xf32>
    %get3A_127 = arith.constant 0 : index
    %get3A_128 = arith.constant 0 : index
    %get3A_129 = arith.constant 0 : index
    %get3A_130 = vector.load %arg8[%get3A_127, %get3A_128, %get3A_129] : memref<1x1x64xf32, #tpu.memory_space<vmem>>, vector<1x1x64xf32>
    %get3A_131 = vector.shape_cast %get3A_130 : vector<1x1x64xf32> to vector<1x64xf32>
    %slice3A = vector.extract_strided_slice %get3A_131 {offsets = [0, 0], sizes = [1, 1], strides = [1, 1]} : vector<1x64xf32> to vector<1x1xf32>
    %dot_general3A_132 = arith.constant dense<0.000000e+00> : vector<256x64xf32>
    %dot_general3A_133 = tpu.matmul %dot_general3A_101, %get3A_111, %dot_general3A_132 {dimension_numbers = #tpu.dot_dimension_numbers<[1], [0], [0], [1], [0, 0, 1, 1], [], []>, transpose_lhs_hint = false} : vector<256x8xf32>, vector<8x64xf32>, vector<256x64xf32> -> vector<256x64xf32>
    %mul3A_134 = vector.broadcast %get3A_106 : vector<256x1xf32> to vector<256x64xf32>
    %mul3A_135 = vector.broadcast %get3A_116 : vector<1x64xf32> to vector<256x64xf32>
    %mul3A_136 = arith.mulf %mul3A_134, %mul3A_135 : vector<256x64xf32>
    %add3A_137 = arith.addf %dot_general3A_133, %mul3A_136 : vector<256x64xf32>
    %add3A_138 = vector.broadcast %get3A_121 : vector<1x64xf32> to vector<256x64xf32>
    %add3A_139 = arith.addf %add3A_137, %add3A_138 : vector<256x64xf32>
    %max3A = arith.constant 0.000000e+00 : f32
    %max3A_140 = vector.broadcast %max3A : f32 to vector<256x64xf32>
    %max3A_141 = arith.maximumf %add3A_139, %max3A_140 : vector<256x64xf32>
    %mul3A_142 = vector.broadcast %get3A_126 : vector<1x64xf32> to vector<256x64xf32>
    %mul3A_143 = arith.mulf %max3A_141, %mul3A_142 : vector<256x64xf32>
    %reduce_sum3A = arith.constant dense<0.000000e+00> : vector<256xf32>
    %reduce_sum3A_144 = vector.multi_reduction <add>, %mul3A_143, %reduce_sum3A [1] : vector<256x64xf32> to vector<256xf32>
    %broadcast_in_dim3A = vector.shape_cast %reduce_sum3A_144 : vector<256xf32> to vector<256x1xf32>
    %add3A_145 = vector.broadcast %slice3A : vector<1x1xf32> to vector<256x1xf32>
    %add3A_146 = arith.addf %broadcast_in_dim3A, %add3A_145 : vector<256x1xf32>
    %swap3A = arith.constant 0 : index
    %swap3A_147 = arith.constant 0 : index
    %swap3A_148 = arith.constant 0 : index
    %swap3A_149 = vector.load %arg9[%swap3A, %swap3A_147, %swap3A_148] : memref<1x256x1xf32, #tpu.memory_space<vmem>>, vector<1x256x1xf32>
    %swap3A_150 = vector.shape_cast %swap3A_149 : vector<1x256x1xf32> to vector<256x1xf32>
    %swap3A_151 = vector.shape_cast %add3A_146 : vector<256x1xf32> to vector<1x256x1xf32>
    tpu.vector_store %arg9[%swap3A, %swap3A_147, %swap3A_148], %swap3A_151 {strides = array<i32>} : memref<1x256x1xf32, #tpu.memory_space<vmem>>, vector<1x256x1xf32>,
    return
  }
  func.func @transform_0(%arg0: i32) -> (i32, i32, i32) {
    %c0_i32 = arith.constant 0 : i32
    %c0_i32_0 = arith.constant 0 : i32
    %c0_i32_1 = arith.constant 0 : i32
    return %arg0, %c0_i32, %c0_i32_0 : i32, i32, i32
  }
  func.func @transform_1(%arg0: i32) -> (i32, i32, i32) {
    %c0_i32 = arith.constant 0 : i32
    %c0_i32_0 = arith.constant 0 : i32
    %c0_i32_1 = arith.constant 0 : i32
    return %arg0, %c0_i32, %c0_i32_0 : i32, i32, i32
  }
  func.func @transform_2(%arg0: i32) -> (i32, i32, i32) {
    %c0_i32 = arith.constant 0 : i32
    %c0_i32_0 = arith.constant 0 : i32
    %c0_i32_1 = arith.constant 0 : i32
    return %arg0, %c0_i32, %c0_i32_0 : i32, i32, i32
  }
  func.func @transform_3(%arg0: i32) -> (i32, i32, i32) {
    %c0_i32 = arith.constant 0 : i32
    %c0_i32_0 = arith.constant 0 : i32
    %c0_i32_1 = arith.constant 0 : i32
    return %arg0, %c0_i32, %c0_i32_0 : i32, i32, i32
  }
  func.func @transform_4(%arg0: i32) -> (i32, i32, i32) {
    %c0_i32 = arith.constant 0 : i32
    %c0_i32_0 = arith.constant 0 : i32
    %c0_i32_1 = arith.constant 0 : i32
    return %arg0, %c0_i32, %c0_i32_0 : i32, i32, i32
  }
  func.func @transform_5(%arg0: i32) -> (i32, i32, i32) {
    %c0_i32 = arith.constant 0 : i32
    %c0_i32_0 = arith.constant 0 : i32
    %c0_i32_1 = arith.constant 0 : i32
    return %arg0, %c0_i32, %c0_i32_0 : i32, i32, i32
  }
  func.func @transform_6(%arg0: i32) -> (i32, i32, i32) {
    %c0_i32 = arith.constant 0 : i32
    %c0_i32_0 = arith.constant 0 : i32
    %c0_i32_1 = arith.constant 0 : i32
    return %arg0, %c0_i32, %c0_i32_0 : i32, i32, i32
  }
  func.func @transform_7(%arg0: i32) -> (i32, i32, i32) {
    %c0_i32 = arith.constant 0 : i32
    %c0_i32_0 = arith.constant 0 : i32
    %c0_i32_1 = arith.constant 0 : i32
    return %arg0, %c0_i32, %c0_i32_0 : i32, i32, i32
  }
  func.func @transform_8(%arg0: i32) -> (i32, i32, i32) {
    %c0_i32 = arith.constant 0 : i32
    %c0_i32_0 = arith.constant 0 : i32
    %c0_i32_1 = arith.constant 0 : i32
    return %arg0, %c0_i32, %c0_i32_0 : i32, i32, i32
  }
}

</mosaic_0001>

<sc_bundles>
// kernel: sparse-core-data-format-call.cloned.1.call-start
scs
called_computation_lowered:
.L_overlay_start_0:
0x0: {  	s1 =	sld [smem:$0x3FD9]  }
0x1: {  	s2 =	sld [smem:$0x3FFE];
	_ =	sdelay $0x1  }
0x2: {  	s3 =	srdreg.scid  }
0x3: {  	s0 =	sand.u32 $0x1, s3  }
0x4: {  	s17 =	sshll.u32 s0, $0xA;
	s1 =	sadd.s32 s2, s1  }
0x5: {  	s1 =	sadd.s32 s1, s17  }
0x6: {  	[smem:$0x3FBD] =	sst s1  }
0x7: {  	_ = 	snop  }
0x8: {  	(tm) =	ssettm $0x1  }
0x9: {  	s18 =	sld [smem:$0x3FFB];
	_ =	sdelay $0x3  }
0xa: {  	_ =	strace s18  }
0xb: {  	s1 =	sld [smem:$0x3FFC];
	_ =	sdelay $0x3  }
0xc: {  	_ =	strace s1  }
0xd: {  	s1 =	sld [smem:$0x3FFD];
	_ =	sdelay $0x3  }
0xe: {  	_ =	strace s1  }
0xf: {  	_ =	strace $0x8FFFFFFF  }
0x10: {  	s19 =	sld [smem:$0x3FDB];
	_ =	sdelay $0x1  }
0x11: {  	s20 =	simm.s32 $_scs_section_size  }
0x12: {  	s4 =	simm.s32 $_size__tile_overlayer_lowered;
	s5 =	simm.s32 $_tile_overlayer_lowered  }
0x13: {  	s23 =	simm.s32 $0x1BFF;
	s22 =	sshll.u32 s5, $0x1;
	s1 =	sadd.s32 s20, s19  }
0x14: {  	s6 =	simm.s32 $0x0;
	s21 =	sshll.u32 s4, $0x1;
	s4 =	sadd.s32 s22, s1  }
0x15: {  	[timem:s6], [sflag:s23] =	dma.local [hbm:s4], s21  }
0x16: {  	_ =	swait.ge [sflag:s23], s21  }
0x17: {  	s2 =	ssub.s32 $0x0, s21;
	[sflag:s23] =	ssyncset.done $0x0  }
0x18: {  	[sflag:s23] =	ssyncadd.s32 s2;
	_ =	sdelay $0x1  }
0x19: {  	s24 =	simm.s32 $0x1B8B  }
0x1a: {  	_ =	swait.ge [sflag:s24], $0x1  }
0x1b: {  	[sflag:s24] =	ssyncset.done $0x0  }
0x1c: {  	s26 =	simm.s32 $0x1B8E;
	s25 =	sld [smem:$0x3FFE];
	[sflag:s24] =	ssyncadd.s32 $0xFFFFFFFF  }
0x1d: {  	s27 =	simm.s32 $execute0_lowered;
	[smem:$0x3FD2] =	sst s26  }
0x1e: {  	s4 =	sshll.u32 s27, $0x1;
	_ =	strace $0x80000046;
	[dreg:$0x1] =	wrdreg $0xFFFFFFFF  }
0x1f: {  	s28 =	simm.s32 $_size_execute0_lowered;
	s1 =	sadd.s32 s1, s4;
	[dreg:$0x0] =	wrdreg $0x0  }
0x20: {  	s4 =	sshll.u32 s28, $0x1;
	[dreg:$0x2] =	wrdreg s1  }
0x21: {  	[dreg:$0x3] =	wrdreg s4  }
0x22: {  	[dreg:$0x4] =	wrdreg $0xC0  }
0x23: {  	_ =	task [dreg:s6], $0x5FFFF  }
0x24: {  	[dreg:$0x1] =	wrdreg $0xFFFFFFFF  }
0x25: {  	[dreg:$0x0] =	wrdreg $0x60  }
0x26: {  	[dreg:$0x2] =	wrdreg s25  }
0x27: {  	[dreg:$0x3] =	wrdreg $0x9  }
0x28: {  	_ =	task.clear_ibuf [dreg:s6], $0x4FFFF;
	_ =	strace $0x90000046  }
0x29: {  	s29 =	simm.s32 $0x9;
	_ =	strace $0x80000048  }
0x2a: {  	_ =	swait.ge [sflag:s29], $0x1  }
0x2b: {  	[sflag:s29] =	ssyncadd.s32 $0xFFFFFFFF  }
0x2c: {  	_ =	strace $0x90000048  }
0x2d: {  	_ =	sfence  }
0x2e: {  	s30 =	sld [smem:$0x0];
	_ =	sdelay $0x2  }
0x2f: {  	s31 =	sshll.u32 s3, $0xD;
	s3 =	sshrl.u32 s3, $0x2  }
0x30: {  	s2 =	sand.u32 $0x4000, s31;
	s1 =	sadd.s32 s3, s30  }
0x31: {  	s0 =	sor.u32 s2, s0;
	s1 =	sshll.u32 s1, $0x11  }
0x32: {  	s0 =	sor.u32 s1, s0  }
0x33: {  	s0 =	sadd.s32 $0x8F2B, s0  }
0x34: {  	[sflag:s0] =	ssyncadd.remote.s32 $0x1  }
0x35: {  	_ =	sfence.sel $0xFFFF  }
0x36: {  	[dreg:$0x0] =	wrdreg $0xFFFFFFFF;
	(pc) =	sbr.abs _section_cstart, $3  }
0x37: {  	[dreg:$0x1] =	wrdreg $0xFFFFFFFF  }
0x38: {  	_ =	task.clear_ibuf [dreg:s6], $0x2FFFF;
	_ =	strace $0x9FFFFFFF  }
0x39: {  	(tm) =	ssettm $0x7FFFFFFF  }
tec
execute0_lowered:
.L_overlay_start_1:
0x0: {  	(tag) =	ssettag $0x1  }
0x1: {  	s4 =	rddreg [dreg:$0x0]  }
0x2: {  	s0 =	stileid.u32;
	s1 =	rddreg [dreg:$0x1];
	_ =	strace $0x80000047  }
0x3: {  	s6 =	srdreg.scid;
	s31 =	simm.s32 $0x2;
	s16 =	simm.s32 $0x0  }
0x4: {  	p0 =	por $0x0, $0x0;
	s9 =	simm.s32 $0x30000;
	s2 =	sshll.u32 s0, $0x7  }
0x5: {  	s14 =	simm.s32 $0x0;
	s15 =	simm.s32 $0x0;
	s2 =	sand.u32 $0x80, s2  }
0x6: {  	s12 =	simm.s32 $0x0;
	s13 =	simm.s32 $0x0;
	s5 =	ssub.s32 $0x100, s2  }
0x7: {  	s3 =	sadd.s32 $0xC00, s4;
	s6 =	sshll.u32 s6, $0x4;
	s7 =	sshrl.u32 s5, $0x7  }
.Ltmp0:
0x8: {  	s5 =	sshrl.u32 s5, $0x8;
	s7 =	sand.u32 $0x1, s7;
	(pc) =	sbr.rel .LBB1_1-.Ltmp0, $4  }
0x9: {  	s4 =	sadd.s32 $0x300C00, s4;
	s6 =	sand.u32 $0x10, s6;
	s7 =	sadd.s32 s5, s7  }
0xa: {  	s8 =	sor.u32 s0, s6;
	s5 =	simm.s32 $0x1;
	s6 =	smul.u32 $0x30, s7  }
0xb: {  	s11 =	smov.u32 s2;
	s7 =	sshrl.u32 s8, $0x1;
	[sflag:s5] =	ssyncpa.u1 $0x0  }
0xc: {  	[sflag:s31] =	ssyncpa.u1 $0x0;
	s10 =	smov.u32 s7;
	s8 =	sor.u32 $0x1, s6  }
.LBB1_4:
0xd: {  	v5 =	vld [tilespmem:s19+$0xFFFFFFD0];
	[tilespmem:s20+$0x2040 ss:$0x81] =	vst.msk $0xffff, v1  }
0xe: {  	v58 =	vld [tilespmem:s19+$0xFFFFFFE0];
	[tilespmem:s20+$0x2850 ss:$0x81] =	vst.msk $0xffff, v2  }
0xf: {  	s21 =	sshra.s32 s21, $0x2;
	v59 =	vld [tilespmem:s19+$0xFFFFFFF0];
	[tilespmem:s20+$0x3060 ss:$0x81] =	vst.msk $0xffff, v3  }
0x10: {  	v60 =	vld [tilespmem:s19+$0x0];
	[tilespmem:s20+$0x0 ss:$0x81] =	vst.msk $0xffff, v0;
	s18 =	sadd.s32 s21, s18  }
0x11: {  	v61 =	vld [tilespmem:s19+$0x10];
	s25 =	sshll.u32 s16, $0x8;
	[tilespmem:s18+$0x3870 ss:$0x81] =	vst.msk $0xffff, v4  }
0x12: {  	s26 =	sshll.u32 s14, $0x3;
	v62 =	vld [tilespmem:s19+$0x20];
	s27 =	sshll.u32 s16, $0x7;
	s30 =	sand.u32 $0x78, s14;
	[tilespmem:s18+$0x810 ss:$0x81] =	vst.msk $0xffff, v5  }
0x13: {  	v63 =	vld [tilespmem:s19+$0xFFFFFFC0];
	s15 =	sshll.u32 s15, $0xC;
	s20 =	sand.u32 $0x7800, s25;
	s21 =	sand.u32 $0x7C00, s26;
	[tilespmem:s18+$0x1020 ss:$0x81] =	vst.msk $0xffff, v58  }
0x14: {  	s29 =	sand.u32 $0x300, s27;
	s16 =	sand.u32 $0x80, s27;
	s28 =	sadd.s32 s21, s20;
	[tilespmem:s18+$0x1830 ss:$0x81] =	vst.msk $0xffff, v59  }
0x15: {  	s31 =	sand.u32 $0x7, s14;
	s16 =	sor.u32 s30, s16;
	s19 =	sor.u32 s29, s28;
	[tilespmem:s18+$0x2040 ss:$0x81] =	vst.msk $0xffff, v60  }
0x16: {  	s15 =	sadd.s32 s4, s15;
	s16 =	sshrl.u32 s16, $0x3;
	s19 =	sshrl.u32 s19, $0x3;
	[tilespmem:s18+$0x2850 ss:$0x81] =	vst.msk $0xffff, v61  }
0x17: {  	s14 =	sshll.u32 s31, $0x12;
	s15 =	sadd.s32 s16, s15;
	[tilespmem:s18+$0x3060 ss:$0x81] =	vst.msk $0xffff, v62;
	s19 =	sand.u32 $0xFE0, s19  }
0x18: {  	s14 =	sor.u32 $0x80, s14;
	[tilespmem:s18+$0x0 ss:$0x81] =	vst.msk $0xffff, v63;
	s15 =	sadd.s32 s19, s15  }
0x19: {  	[hbm4b:s15+s14] =	stream.strided.scatter [tilespmem:s17], [sflag:$0x2], $0x4000, s9, s14, $0x20;
	[tilespmem:$0x10100] =	vst v63  }
.LBB1_5:
0x1a: {  	s17 =	sadd.s32 $0x10, s10  }
0x1b: {  	s14 =	sadd.s32 $0x100, s11;
	s18 =	smov.u32 s11;
	p2 =	sgt.s32 s17, $0x7F  }
0x1c: {  	s18 =	smov.u32 @p2 s14  }
0x1d: {  	s14 =	simm.s32 $0x1;
	p3 =	sgt.s32 s18, $0xFF  }
0x1e: {  	s14 =	simm.s32 @!p3 $0x0  }
0x1f: {  	s20 =	sadd.s32 s14, s12  }
0x20: {  	s17 =	smov.u32 @p2 s7;
	p2 =	sgt.s32 s20, $0x5  }
0x21: {  	p1 =	slt.u32 s13, $0x2;
	s20 =	simm.s32 @p2 $0x0;
	p2 =	sne.s32 s13, s8  }
.Ltmp1:
0x22: {  	s19 =	simm.s32 @!p1 $0x2;
	(pc) =	sbr.rel @!p2 .LBB1_6-.Ltmp1, $4  }
0x23: {  	s16 =	smov.u32 s10;
	s15 =	smov.u32 s12;
	_ =	swait.ge @!p1 [sflag:s19], $0x4000  }
0x24: {  	p0 =	por !p0, !p0;
	[sflag:s19] =	ssyncset.done @!p1 $0x0;
	s10 =	smov.u32 s17  }
0x25: {  	s18 =	smov.u32 @p3 s2;
	[sflag:s19] =	ssyncadd.s32 @!p1 $0xFFFFC000;
	s14 =	smov.u32 s11  }
0x26: {  	s11 =	smov.u32 s18;
	s13 =	sadd.s32 $0x1, s13;
	s12 =	smov.u32 s20  }
.LBB1_1:
0x27: {  	p1 =	sge.u32 s13, s6;
	s31 =	sadd.s32 $0xFFFFFFFF, s13  }
0x28: {  	s17 =	sxor.u32 @!p1 $0xFFFFFFFF, s13;
	s18 =	sshll.u32 @!p1 s12, $0x13;
	s19 =	sshll.u32 @!p1 s11, $0xB  }
0x29: {  	s20 =	sshll.u32 @!p1 s10, $0x4;
	s17 =	sshll.u32 @!p1 s17, $0xE;
	s18 =	sadd.s32 @!p1 s3, s18  }
0x2a: {  	s20 =	sand.u32 @!p1 $0x7F0, s20;
	s17 =	sand.u32 @!p1 $0x4000, s17;
	s18 =	sadd.s32 @!p1 s19, s18  }
0x2b: {  	s19 =	simm.s32 @!p1 $0x80;
	s18 =	sadd.s32 @!p1 s20, s18;
	s20 =	simm.s32 @!p1 $0x4000  }
0x2c: {  	[tilespmem:s17], [sflag:$0x1] =	stream.strided.gather @!p1 [hbm4b:s18+s19], $0x4000, s20, s19, $0x38;
	[tilespmem:$0x10100] =	vst v63  }
0x2d: {  	p1 =	sge.u32 s31, s6  }
.Ltmp2:
0x2e: {  	_ = 	snop;
	(pc) =	sbr.rel @p1 .LBB1_5-.Ltmp2, $1  }
0x2f: {  	_ =	sdelay $0x3  }
0x30: {  	s17 =	simm.s32 $0x1  }
0x31: {  	_ =	swait.ge [sflag:s5], $0x4000;
	s17 =	simm.s32 @!p0 $0x0  }
0x32: {  	[sflag:s5] =	ssyncset.done $0x0;
	s18 =	sshll.u32 s17, $0xE  }
0x33: {  	[sflag:s5] =	ssyncadd.s32 $0xFFFFC000;
	s19 =	sor.u32 $0x40, s18  }
0x34: {  	s17 =	smul.u32 $0x10200, s17;
	v0 =	vld [tilespmem:s19+$0x30]  }
0x35: {  	v3 =	vld [tilespmem:s19+$0xFFFFFFD0]  }
0x36: {  	s17 =	sshrl.u32 s17, $0x2;
	v4 =	vld [tilespmem:s19+$0xFFFFFFE0]  }
0x37: {  	v5 =	vld [tilespmem:s19+$0xFFFFFFF0];
	s18 =	sor.u32 $0x8000, s17  }
0x38: {  	s31 =	sand.u32 $0x1, s13;
	v1 =	vld [tilespmem:s19+$0x0];
	s20 =	sadd.s32 $0x0, s18  }
0x39: {  	v2 =	vld [tilespmem:s19+$0x10];
	s17 =	smul.u32 $0x10200, s31;
	[tilespmem:s20+$0x3870 ss:$0x81] =	vst.msk $0xffff, v0  }
0x3a: {  	[tilespmem:s20+$0x810 ss:$0x81] =	vst.msk $0xffff, v3;
	v3 =	vld [tilespmem:s19+$0x20]  }
0x3b: {  	s17 =	sshrl.u32 s17, $0x2;
	v0 =	vld [tilespmem:s19+$0xFFFFFFC0];
	[tilespmem:s20+$0x1020 ss:$0x81] =	vst.msk $0xffff, v4;
	s19 =	sadd.s32 $0x80, s19  }
0x3c: {  	s21 =	simm.s32 $0x4;
	s22 =	simm.s32 $0x8;
	s17 =	sor.u32 $0x8000, s17;
	[tilespmem:s20+$0x1830 ss:$0x81] =	vst.msk $0xffff, v5;
	v4 =	vld [tilespmem:s19+$0x30]  }
.LBB1_3:
0x3d: {  	p1 =	sne.s32 s22, $0x1FC;
	v5 =	vld [tilespmem:s19+$0xFFFFFFD0];
	[tilespmem:s20+$0x2040 ss:$0x81] =	vst.msk $0xffff, v1  }
0x3e: {  	v6 =	vld [tilespmem:s19+$0xFFFFFFE0];
	[tilespmem:s20+$0x2850 ss:$0x81] =	vst.msk $0xffff, v2  }
0x3f: {  	s23 =	sshra.s32 s21, $0x2;
	s21 =	smov.u32 s22;
	v7 =	vld [tilespmem:s19+$0xFFFFFFF0];
	[tilespmem:s20+$0x3060 ss:$0x81] =	vst.msk $0xffff, v3  }
.Ltmp3:
0x40: {  	v1 =	vld [tilespmem:s19+$0x0];
	[tilespmem:s20+$0x0 ss:$0x81] =	vst.msk $0xffff, v0;
	s20 =	sadd.s32 s23, s18;
	(pc) =	sbr.rel @p1 .LBB1_3-.Ltmp3, $4  }
0x41: {  	v2 =	vld [tilespmem:s19+$0x10];
	[tilespmem:s20+$0x3870 ss:$0x81] =	vst.msk $0xffff, v4  }
0x42: {  	[tilespmem:s20+$0x810 ss:$0x81] =	vst.msk $0xffff, v5;
	v3 =	vld [tilespmem:s19+$0x20]  }
0x43: {  	v0 =	vld [tilespmem:s19+$0xFFFFFFC0];
	[tilespmem:s20+$0x1020 ss:$0x81] =	vst.msk $0xffff, v6;
	s19 =	sadd.s32 $0x80, s19  }
0x44: {  	s22 =	sadd.s32 $0x4, s22;
	v4 =	vld [tilespmem:s19+$0x30];
	[tilespmem:s20+$0x1830 ss:$0x81] =	vst.msk $0xffff, v7  }
.Ltmp4:
0x45: {  	_ = 	snop;
	(pc) =	sbr.rel .LBB1_4-.Ltmp4, $1  }
0x46: {  	_ =	sdelay $0x3  }
.LBB1_6:
0x47: {  	_ =	sfence.sel $0x180000  }
0x48: {  	s2 =	simm.s32 $0x1;
	[bflag:$0x0] =	sbarrier.arrive $0xFFFF  }
0x49: {  	s31 =	simm.s32 $0x2;
	[sflag:s2] =	ssyncpa.u1 $0x1  }
0x4a: {  	[sflag:s31] =	ssyncpa.u1 $0x1  }
0x4b: {  	p0 =	sne.s32 s0, $0x0;
	_ =	strace $0x90000047  }
0x4c: {  	s0 =	sadd.s32 @!p0 $0x100000, s1;
	[bflag:$0x2] =	sbarrier.arrive $0xFFFF  }
0x4d: {  	[sflag:s0] =	ssyncadd.tile.s32 @!p0 $0x1;
	_ =	shalt  }
.Lfunc_end1:
_tile_overlayer_lowered:
.L_overlay_start_2:
0x4e: {  	(tag) =	ssettag $0x2  }
0x4f: {  	s0 =	rddreg [dreg:$0x0];
	s2 =	stileid.u32  }
0x50: {  	s1 =	rddreg [dreg:$0x1];
	p0 =	sne.s32 s2, $0x0  }
0x51: {  	s3 =	rddreg [dreg:$0x2];
	[bflag:$0x3] =	sbarrier.arrive $0xFFFF;
	s2 =	simm.s32 @!p0 $0x1C01  }
0x52: {  	[timem:s3], [sflag:s2] =	dma.local @!p0 [hbm:s0], s1  }
0x53: {  	s0 =	simm.s32 @!p0 $0x1  }
0x54: {  	_ =	swait.ge @!p0 [sflag:s0], s1  }
0x55: {  	s1 =	ssub.s32 @!p0 $0x0, s1;
	[sflag:s0] =	ssyncset.done @!p0 $0x0  }
0x56: {  	[sflag:s0] =	ssyncadd.s32 @!p0 s1  }
0x57: {  	[bflag:$0x3] =	sbarrier.arrive $0xFFFF  }
0x58: {  	_ =	shalt  }

</sc_bundles>
